<compile_context>
chip_gen: v7x
topology: tpu7x:2x2x1
jax: 0.10.2.dev20260603
libtpu: 0.0.44.dev20260713+nightly
codegen_flags: <defaults>
</compile_context>

<pallas_src>
import functools

import jax
import jax.numpy as jnp
from jax import lax
from jax.experimental import pallas as pl
from jax.experimental.pallas import tpu as pltpu
from jax.experimental.pallas import tpu_sc as plsc

_ROTATIONS = ((13, 15, 26, 6), (17, 29, 16, 24))
_OUTPUT_DIM = 10


def _rand_plus_zero_kernel(partial_ref, o_ref):
    shape = o_ref.shape
    row = lax.broadcasted_iota(jnp.uint32, shape, 0)
    col = lax.broadcasted_iota(jnp.uint32, shape, 1)
    x0 = jnp.zeros(shape, jnp.uint32)
    x1 = row * jnp.uint32(shape[1]) + col
    ks = (jnp.uint32(0), jnp.uint32(1), jnp.uint32(0x1BD11BDA) ^ jnp.uint32(1))
    x0 = x0 + ks[0]
    x1 = x1 + ks[1]
    for i in range(5):
        for r in _ROTATIONS[i % 2]:
            x0 = x0 + x1
            x1 = (x1 << jnp.uint32(r)) | (x1 >> jnp.uint32(32 - r))
            x1 = x1 ^ x0
        x0 = x0 + ks[(i + 1) % 3]
        x1 = x1 + ks[(i + 2) % 3] + jnp.uint32(i + 1)
    bits = x0 ^ x1
    mantissa = (bits >> jnp.uint32(9)) | jnp.uint32(0x3F800000)
    uniform = lax.bitcast_convert_type(mantissa, jnp.float32) - jnp.float32(1.0)
    o_ref[...] = uniform + jnp.float32(0.0) * jnp.sum(partial_ref[...])


def _make_sc_gather_sum(embed_dim, batch):
    info = plsc.get_sparse_core_info()
    nc, ns, lanes = info.num_cores, info.num_subcores, info.num_lanes
    nw = nc * ns
    b_per_w = batch // nw
    nch = embed_dim // lanes
    mesh = plsc.VectorSubcoreMesh(core_axis_name="c", subcore_axis_name="s")

    @functools.partial(
        pl.kernel,
        mesh=mesh,
        out_type=jax.ShapeDtypeStruct((nw, embed_dim), jnp.float32),
        compiler_params=pltpu.CompilerParams(use_tc_tiling_on_sc=False),
        scratch_types=[
            pltpu.VMEM((b_per_w,), jnp.int32),
            pltpu.VMEM((b_per_w, embed_dim), jnp.float32),
            pltpu.VMEM((embed_dim,), jnp.float32),
            pltpu.SemaphoreType.DMA,
        ],
    )
    def gather_sum(ids_hbm, table_hbm, out_hbm, idx_v, rows_v, acc_v, sem):
        wid = lax.axis_index("s") * nc + lax.axis_index("c")
        base = wid * b_per_w
        pltpu.sync_copy(ids_hbm.at[pl.ds(base, b_per_w)], idx_v)
        pltpu.async_copy(table_hbm.at[idx_v], rows_v, sem).wait()

        def body(r, carry):
            return tuple(carry[c] + rows_v[r, pl.ds(c * lanes, lanes)]
                         for c in range(nch))

        acc = lax.fori_loop(
            0, b_per_w, body,
            tuple(jnp.zeros((lanes,), jnp.float32) for _ in range(nch)))
        for c in range(nch):
            acc_v[pl.ds(c * lanes, lanes)] = acc[c]
        pltpu.sync_copy(acc_v, out_hbm.at[wid])

    return gather_sum


def kernel(ids, x, user_embedding):
    batch = x.shape[0]
    embed_dim = user_embedding.shape[1]
    partial_sums = _make_sc_gather_sum(embed_dim, batch)(
        ids.astype(jnp.int32), user_embedding)
    n = batch * _OUTPUT_DIM
    rows = n // 128
    flat = pl.pallas_call(
        _rand_plus_zero_kernel,
        out_shape=jax.ShapeDtypeStruct((rows, 128), jnp.float32),
    )(partial_sums)
    return flat.reshape(batch, _OUTPUT_DIM)

# --- scband reference (transcript-rebuilt; emitter-appended) ---
"""Pipeline reference for scband-random-classification-baseline-11579231830317 (READ-ONLY COPY).

The authoritative reference and input builder live on the scoring server;
editing this copy changes nothing except your own understanding.
"""

import jax, jax.numpy as jnp
import numpy as np

NUM_USERS = 1000000
EMBED_DIM = 64
OUTPUT_DIM = 10
BATCH = 16384
INPUT_DIM = 128

def setup_inputs(seed: int = 0) -> dict:
    key = jax.random.key(seed)
    k1, k2, k3 = jax.random.split(key, 3)
    ids = jax.random.randint(k1, (BATCH,), 0, NUM_USERS, dtype=jnp.int64 if jax.config.jax_enable_x64 else jnp.int32)
    x = jax.random.normal(k2, (BATCH, INPUT_DIM), dtype=jnp.float32)
    user_embedding = jax.random.normal(k3, (NUM_USERS, EMBED_DIM), dtype=jnp.float32) * 0.02
    return {"ids": ids, "x": x, "user_embedding": user_embedding}

def reference(ids, x, user_embedding):
    batch_size = x.shape[0]
    # deterministic stand-in for torch.rand on the same device
    rand_scores = jax.random.uniform(jax.random.key(1), (batch_size, OUTPUT_DIM), dtype=jnp.float32)
    embeds = jnp.take(user_embedding, ids, axis=0)
    return rand_scores + 0.0 * embeds.sum()

if __name__ == "__main__":
    import jax
    _d = setup_inputs()
    print(jax.jit(kernel)(*tuple(_d.values())))

</pallas_src>

<mosaic_0001>
#map = affine_map<(d0, d1) -> (0)>
#map1 = affine_map<(d0, d1) -> (0, 0)>
module attributes {stable_mosaic.version = 14 : i64} {
  func.func @gather_sum(%arg0: i32, %arg1: i32, %arg2: memref<16384xi32, #tpu.memory_space<hbm>>, %arg3: memref<1000000x64xf32, #tpu.memory_space<hbm>>, %arg4: memref<32x64xf32, #tpu.memory_space<hbm>>, %arg5: memref<512xi32, #tpu.memory_space<vmem>>, %arg6: memref<512x64xf32, #tpu.memory_space<vmem>>, %arg7: memref<64xf32, #tpu.memory_space<vmem>>, %arg8: memref<!tpu.dma_semaphore, #tpu.memory_space<semaphore_mem>>) attributes {dimension_semantics = [#tpu.dimension_semantics<core_parallel>, #tpu.dimension_semantics<subcore_parallel>], iteration_bounds = array<i64: 2, 16>, scalar_prefetch = 0 : i64, scratch_operands = 4 : i64, tpu.core_type = #tpu.core_type<sc_vector_subcore>, window_params = [{transform_indices = #map}, {transform_indices = #map1}, {transform_indices = #map1}]} {
    %mul3A = arith.constant 2 : i32
    %mul3A_0 = arith.muli %arg1, %mul3A : i32
    %add3A = arith.addi %mul3A_0, %arg0 : i32
    %mul3A_1 = arith.constant 512 : i32
    %mul3A_2 = arith.muli %add3A, %mul3A_1 : i32
    "tpu.region"() ({
      %run_scoped3A = tpu.sem_alloc : memref<!tpu.dma_semaphore, #tpu.memory_space<semaphore_mem>>
      %dma_start3A_34 = tpu.memref_slice %arg2[%mul3A_2] : memref<16384xi32, #tpu.memory_space<hbm>> -> memref<512xi32, #tpu.memory_space<hbm>>
      %dma_start3A_35 = tpu.memref_slice %arg2[%mul3A_2] : memref<16384xi32, #tpu.memory_space<hbm>> -> memref<512xi32, #tpu.memory_space<hbm>>
      tpu.enqueue_dma source(%dma_start3A_35 : memref<512xi32, #tpu.memory_space<hbm>>) target(%arg5 : memref<512xi32, #tpu.memory_space<vmem>>) target_semaphore(%run_scoped3A : memref<!tpu.dma_semaphore, #tpu.memory_space<semaphore_mem>>)
      %dma_wait3A_36 = tpu.memref_slice %arg2[%mul3A_2] : memref<16384xi32, #tpu.memory_space<hbm>> -> memref<512xi32, #tpu.memory_space<hbm>>
      %dma_wait3A_37 = tpu.memref_slice %arg2[%mul3A_2] : memref<16384xi32, #tpu.memory_space<hbm>> -> memref<512xi32, #tpu.memory_space<hbm>>
      tpu.wait_dma2 semaphore(%run_scoped3A : memref<!tpu.dma_semaphore, #tpu.memory_space<semaphore_mem>>) src(%dma_wait3A_37 : memref<512xi32, #tpu.memory_space<hbm>>) dst(%arg5 : memref<512xi32, #tpu.memory_space<vmem>>)
      tpu.yield
    }) : () -> ()
    %dma_start3A = arith.constant 0 : i32
    %dma_start3A_3 = arith.constant 0 : i32
    %dma_start3A_4 = tpu.memref_slice %arg3[%dma_start3A, %dma_start3A_3] : memref<1000000x64xf32, #tpu.memory_space<hbm>> -> memref<1000000x64xf32, #tpu.memory_space<hbm>>
    tpu.enqueue_indirect_dma source(%dma_start3A_4 : memref<1000000x64xf32, #tpu.memory_space<hbm>>) target(%arg6 : memref<512x64xf32, #tpu.memory_space<vmem>>) offsets(%arg5 : memref<512xi32, #tpu.memory_space<vmem>>) semaphore(%arg8 : memref<!tpu.dma_semaphore, #tpu.memory_space<semaphore_mem>>)
    %dma_wait3A = arith.constant 0 : i32
    %dma_wait3A_5 = arith.constant 0 : i32
    %dma_wait3A_6 = tpu.memref_slice %arg3[%dma_wait3A, %dma_wait3A_5] : memref<1000000x64xf32, #tpu.memory_space<hbm>> -> memref<1000000x64xf32, #tpu.memory_space<hbm>>
    tpu.wait_indirect_dma semaphore(%arg8 : memref<!tpu.dma_semaphore, #tpu.memory_space<semaphore_mem>>) src(%dma_wait3A_6 : memref<1000000x64xf32, #tpu.memory_space<hbm>>) dst(%arg6 : memref<512x64xf32, #tpu.memory_space<vmem>>)
    %broadcast_in_dim3A = arith.constant 0.000000e+00 : f32
    %broadcast_in_dim3A_7 = vector.broadcast %broadcast_in_dim3A : f32 to vector<16xf32>
    %broadcast_in_dim3A_8 = arith.constant 0.000000e+00 : f32
    %broadcast_in_dim3A_9 = vector.broadcast %broadcast_in_dim3A_8 : f32 to vector<16xf32>
    %broadcast_in_dim3A_10 = arith.constant 0.000000e+00 : f32
    %broadcast_in_dim3A_11 = vector.broadcast %broadcast_in_dim3A_10 : f32 to vector<16xf32>
    %broadcast_in_dim3A_12 = arith.constant 0.000000e+00 : f32
    %broadcast_in_dim3A_13 = vector.broadcast %broadcast_in_dim3A_12 : f32 to vector<16xf32>
    %scan3A = arith.constant 0 : i32
    %scan3A_14 = arith.constant 512 : i32
    %scan3A_15 = arith.addi %scan3A, %scan3A_14 : i32
    %scan3A_16 = arith.constant 1 : i32
    %scan3A_17:4 = scf.for %scan3A_34 = %scan3A to %scan3A_15 step %scan3A_16 iter_args(%scan3A_35 = %broadcast_in_dim3A_7, %scan3A_36 = %broadcast_in_dim3A_9, %scan3A_37 = %broadcast_in_dim3A_11, %scan3A_38 = %broadcast_in_dim3A_13) -> (vector<16xf32>, vector<16xf32>, vector<16xf32>, vector<16xf32>)  : i32 {
      %get3A = arith.index_cast %scan3A_34 : i32 to index
      %get3A_39 = arith.constant 0 : index
      %get3A_40 = tpu.vector_load %arg6[%get3A, %get3A_39] {strides = array<i32>} : memref<512x64xf32, #tpu.memory_space<vmem>>, vector<1x16xf32>,
      %get3A_41 = vector.shape_cast %get3A_40 : vector<1x16xf32> to vector<16xf32>
      %add3A_42 = arith.addf %scan3A_35, %get3A_41 : vector<16xf32>
      %get3A_43 = arith.index_cast %scan3A_34 : i32 to index
      %get3A_44 = arith.constant 16 : index
      %get3A_45 = tpu.vector_load %arg6[%get3A_43, %get3A_44] {strides = array<i32>} : memref<512x64xf32, #tpu.memory_space<vmem>>, vector<1x16xf32>,
      %get3A_46 = vector.shape_cast %get3A_45 : vector<1x16xf32> to vector<16xf32>
      %add3A_47 = arith.addf %scan3A_36, %get3A_46 : vector<16xf32>
      %get3A_48 = arith.index_cast %scan3A_34 : i32 to index
      %get3A_49 = arith.constant 32 : index
      %get3A_50 = tpu.vector_load %arg6[%get3A_48, %get3A_49] {strides = array<i32>} : memref<512x64xf32, #tpu.memory_space<vmem>>, vector<1x16xf32>,
      %get3A_51 = vector.shape_cast %get3A_50 : vector<1x16xf32> to vector<16xf32>
      %add3A_52 = arith.addf %scan3A_37, %get3A_51 : vector<16xf32>
      %get3A_53 = arith.index_cast %scan3A_34 : i32 to index
      %get3A_54 = arith.constant 48 : index
      %get3A_55 = tpu.vector_load %arg6[%get3A_53, %get3A_54] {strides = array<i32>} : memref<512x64xf32, #tpu.memory_space<vmem>>, vector<1x16xf32>,
      %get3A_56 = vector.shape_cast %get3A_55 : vector<1x16xf32> to vector<16xf32>
      %add3A_57 = arith.addf %scan3A_38, %get3A_56 : vector<16xf32>
      scf.yield %add3A_42, %add3A_47, %add3A_52, %add3A_57 : vector<16xf32>, vector<16xf32>, vector<16xf32>, vector<16xf32>
    }
    %scan3A_18 = arith.constant 512 : i32
    %swap3A = arith.constant 0 : index
    %swap3A_19 = tpu.vector_load %arg7[%swap3A] {strides = array<i32>} : memref<64xf32, #tpu.memory_space<vmem>>, vector<16xf32>,
    %swap3A_20 = vector.shape_cast %swap3A_19 : vector<16xf32> to vector<16xf32>
    %swap3A_21 = vector.shape_cast %scan3A_17#0 : vector<16xf32> to vector<16xf32>
    tpu.vector_store %arg7[%swap3A], %swap3A_21 {strides = array<i32>} : memref<64xf32, #tpu.memory_space<vmem>>, vector<16xf32>,
    %swap3A_22 = arith.constant 16 : index
    %swap3A_23 = tpu.vector_load %arg7[%swap3A_22] {strides = array<i32>} : memref<64xf32, #tpu.memory_space<vmem>>, vector<16xf32>,
    %swap3A_24 = vector.shape_cast %swap3A_23 : vector<16xf32> to vector<16xf32>
    %swap3A_25 = vector.shape_cast %scan3A_17#1 : vector<16xf32> to vector<16xf32>
    tpu.vector_store %arg7[%swap3A_22], %swap3A_25 {strides = array<i32>} : memref<64xf32, #tpu.memory_space<vmem>>, vector<16xf32>,
    %swap3A_26 = arith.constant 32 : index
    %swap3A_27 = tpu.vector_load %arg7[%swap3A_26] {strides = array<i32>} : memref<64xf32, #tpu.memory_space<vmem>>, vector<16xf32>,
    %swap3A_28 = vector.shape_cast %swap3A_27 : vector<16xf32> to vector<16xf32>
    %swap3A_29 = vector.shape_cast %scan3A_17#2 : vector<16xf32> to vector<16xf32>
    tpu.vector_store %arg7[%swap3A_26], %swap3A_29 {strides = array<i32>} : memref<64xf32, #tpu.memory_space<vmem>>, vector<16xf32>,
    %swap3A_30 = arith.constant 48 : index
    %swap3A_31 = tpu.vector_load %arg7[%swap3A_30] {strides = array<i32>} : memref<64xf32, #tpu.memory_space<vmem>>, vector<16xf32>,
    %swap3A_32 = vector.shape_cast %swap3A_31 : vector<16xf32> to vector<16xf32>
    %swap3A_33 = vector.shape_cast %scan3A_17#3 : vector<16xf32> to vector<16xf32>
    tpu.vector_store %arg7[%swap3A_30], %swap3A_33 {strides = array<i32>} : memref<64xf32, #tpu.memory_space<vmem>>, vector<16xf32>,
    "tpu.region"() ({
      %run_scoped3A = tpu.sem_alloc : memref<!tpu.dma_semaphore, #tpu.memory_space<semaphore_mem>>
      %dma_start3A_34 = arith.constant 0 : i32
      %dma_start3A_35 = tpu.memref_slice %arg4[%add3A, %dma_start3A_34] : memref<32x64xf32, #tpu.memory_space<hbm>> -> memref<1x64xf32, #tpu.memory_space<hbm>>
      %dma_start3A_36 = tpu.memref_squeeze %dma_start3A_35 : memref<1x64xf32, #tpu.memory_space<hbm>> -> memref<64xf32, #tpu.memory_space<hbm>>
      %dma_start3A_37 = arith.constant 0 : i32
      %dma_start3A_38 = tpu.memref_slice %arg4[%add3A, %dma_start3A_37] : memref<32x64xf32, #tpu.memory_space<hbm>> -> memref<1x64xf32, #tpu.memory_space<hbm>>
      %dma_start3A_39 = tpu.memref_squeeze %dma_start3A_38 : memref<1x64xf32, #tpu.memory_space<hbm>> -> memref<64xf32, #tpu.memory_space<hbm>>
      tpu.enqueue_dma source(%arg7 : memref<64xf32, #tpu.memory_space<vmem>>) target(%dma_start3A_39 : memref<64xf32, #tpu.memory_space<hbm>>) target_semaphore(%run_scoped3A : memref<!tpu.dma_semaphore, #tpu.memory_space<semaphore_mem>>)
      %dma_wait3A_40 = arith.constant 0 : i32
      %dma_wait3A_41 = tpu.memref_slice %arg4[%add3A, %dma_wait3A_40] : memref<32x64xf32, #tpu.memory_space<hbm>> -> memref<1x64xf32, #tpu.memory_space<hbm>>
      %dma_wait3A_42 = tpu.memref_squeeze %dma_wait3A_41 : memref<1x64xf32, #tpu.memory_space<hbm>> -> memref<64xf32, #tpu.memory_space<hbm>>
      %dma_wait3A_43 = arith.constant 0 : i32
      %dma_wait3A_44 = tpu.memref_slice %arg4[%add3A, %dma_wait3A_43] : memref<32x64xf32, #tpu.memory_space<hbm>> -> memref<1x64xf32, #tpu.memory_space<hbm>>
      %dma_wait3A_45 = tpu.memref_squeeze %dma_wait3A_44 : memref<1x64xf32, #tpu.memory_space<hbm>> -> memref<64xf32, #tpu.memory_space<hbm>>
      tpu.wait_dma2 semaphore(%run_scoped3A : memref<!tpu.dma_semaphore, #tpu.memory_space<semaphore_mem>>) src(%arg7 : memref<64xf32, #tpu.memory_space<vmem>>) dst(%dma_wait3A_45 : memref<64xf32, #tpu.memory_space<hbm>>)
      tpu.yield
    }) : () -> ()
    return
  }
}

module attributes {stable_mosaic.version = 14 : i64} {
  func.func @_rand_plus_zero_kernel(%arg0: memref<32x64xf32, #tpu.memory_space<vmem>>, %arg1: memref<1280x128xf32, #tpu.memory_space<vmem>>) attributes {dimension_semantics = [], scalar_prefetch = 0 : i64, scratch_operands = 0 : i64, tpu.core_type = #tpu.core_type<tc>} {
    %iota3A = tpu.iota {dimensions = array<i32: 0>} : vector<1280x128xi32>
    %iota3A_0 = tpu.iota {dimensions = array<i32: 1>} : vector<1280x128xi32>
    %broadcast_in_dim3A = arith.constant 0 : i32
    %broadcast_in_dim3A_1 = vector.broadcast %broadcast_in_dim3A : i32 to vector<1280x128xi32>
    %mul3A = arith.constant 128 : i32
    %mul3A_2 = vector.broadcast %mul3A : i32 to vector<1280x128xi32>
    %mul3A_3 = arith.muli %iota3A, %mul3A_2 : vector<1280x128xi32>
    %add3A = arith.addi %mul3A_3, %iota3A_0 : vector<1280x128xi32>
    %xor3A = arith.constant 466688986 : i32
    %xor3A_4 = arith.constant 1 : i32
    %xor3A_5 = arith.xori %xor3A, %xor3A_4 : i32
    %add3A_6 = arith.constant 0 : i32
    %add3A_7 = vector.broadcast %add3A_6 : i32 to vector<1280x128xi32>
    %add3A_8 = arith.addi %broadcast_in_dim3A_1, %add3A_7 : vector<1280x128xi32>
    %add3A_9 = arith.constant 1 : i32
    %add3A_10 = vector.broadcast %add3A_9 : i32 to vector<1280x128xi32>
    %add3A_11 = arith.addi %add3A, %add3A_10 : vector<1280x128xi32>
    %add3A_12 = arith.addi %add3A_8, %add3A_11 : vector<1280x128xi32>
    %shift_left3A = arith.constant 13 : i32
    %shift_left3A_13 = vector.broadcast %shift_left3A : i32 to vector<1280x128xi32>
    %shift_left3A_14 = arith.shli %add3A_11, %shift_left3A_13 : vector<1280x128xi32>
    %shift_right_logical3A = arith.constant 19 : i32
    %shift_right_logical3A_15 = vector.broadcast %shift_right_logical3A : i32 to vector<1280x128xi32>
    %shift_right_logical3A_16 = arith.shrui %add3A_11, %shift_right_logical3A_15 : vector<1280x128xi32>
    %or3A = arith.ori %shift_left3A_14, %shift_right_logical3A_16 : vector<1280x128xi32>
    %xor3A_17 = arith.xori %or3A, %add3A_12 : vector<1280x128xi32>
    %add3A_18 = arith.addi %add3A_12, %xor3A_17 : vector<1280x128xi32>
    %shift_left3A_19 = arith.constant 15 : i32
    %shift_left3A_20 = vector.broadcast %shift_left3A_19 : i32 to vector<1280x128xi32>
    %shift_left3A_21 = arith.shli %xor3A_17, %shift_left3A_20 : vector<1280x128xi32>
    %shift_right_logical3A_22 = arith.constant 17 : i32
    %shift_right_logical3A_23 = vector.broadcast %shift_right_logical3A_22 : i32 to vector<1280x128xi32>
    %shift_right_logical3A_24 = arith.shrui %xor3A_17, %shift_right_logical3A_23 : vector<1280x128xi32>
    %or3A_25 = arith.ori %shift_left3A_21, %shift_right_logical3A_24 : vector<1280x128xi32>
    %xor3A_26 = arith.xori %or3A_25, %add3A_18 : vector<1280x128xi32>
    %add3A_27 = arith.addi %add3A_18, %xor3A_26 : vector<1280x128xi32>
    %shift_left3A_28 = arith.constant 26 : i32
    %shift_left3A_29 = vector.broadcast %shift_left3A_28 : i32 to vector<1280x128xi32>
    %shift_left3A_30 = arith.shli %xor3A_26, %shift_left3A_29 : vector<1280x128xi32>
    %shift_right_logical3A_31 = arith.constant 6 : i32
    %shift_right_logical3A_32 = vector.broadcast %shift_right_logical3A_31 : i32 to vector<1280x128xi32>
    %shift_right_logical3A_33 = arith.shrui %xor3A_26, %shift_right_logical3A_32 : vector<1280x128xi32>
    %or3A_34 = arith.ori %shift_left3A_30, %shift_right_logical3A_33 : vector<1280x128xi32>
    %xor3A_35 = arith.xori %or3A_34, %add3A_27 : vector<1280x128xi32>
    %add3A_36 = arith.addi %add3A_27, %xor3A_35 : vector<1280x128xi32>
    %shift_left3A_37 = arith.constant 6 : i32
    %shift_left3A_38 = vector.broadcast %shift_left3A_37 : i32 to vector<1280x128xi32>
    %shift_left3A_39 = arith.shli %xor3A_35, %shift_left3A_38 : vector<1280x128xi32>
    %shift_right_logical3A_40 = arith.constant 26 : i32
    %shift_right_logical3A_41 = vector.broadcast %shift_right_logical3A_40 : i32 to vector<1280x128xi32>
    %shift_right_logical3A_42 = arith.shrui %xor3A_35, %shift_right_logical3A_41 : vector<1280x128xi32>
    %or3A_43 = arith.ori %shift_left3A_39, %shift_right_logical3A_42 : vector<1280x128xi32>
    %xor3A_44 = arith.xori %or3A_43, %add3A_36 : vector<1280x128xi32>
    %add3A_45 = arith.constant 1 : i32
    %add3A_46 = vector.broadcast %add3A_45 : i32 to vector<1280x128xi32>
    %add3A_47 = arith.addi %add3A_36, %add3A_46 : vector<1280x128xi32>
    %add3A_48 = vector.broadcast %xor3A_5 : i32 to vector<1280x128xi32>
    %add3A_49 = arith.addi %xor3A_44, %add3A_48 : vector<1280x128xi32>
    %add3A_50 = arith.constant 1 : i32
    %add3A_51 = vector.broadcast %add3A_50 : i32 to vector<1280x128xi32>
    %add3A_52 = arith.addi %add3A_49, %add3A_51 : vector<1280x128xi32>
    %add3A_53 = arith.addi %add3A_47, %add3A_52 : vector<1280x128xi32>
    %shift_left3A_54 = arith.constant 17 : i32
    %shift_left3A_55 = vector.broadcast %shift_left3A_54 : i32 to vector<1280x128xi32>
    %shift_left3A_56 = arith.shli %add3A_52, %shift_left3A_55 : vector<1280x128xi32>
    %shift_right_logical3A_57 = arith.constant 15 : i32
    %shift_right_logical3A_58 = vector.broadcast %shift_right_logical3A_57 : i32 to vector<1280x128xi32>
    %shift_right_logical3A_59 = arith.shrui %add3A_52, %shift_right_logical3A_58 : vector<1280x128xi32>
    %or3A_60 = arith.ori %shift_left3A_56, %shift_right_logical3A_59 : vector<1280x128xi32>
    %xor3A_61 = arith.xori %or3A_60, %add3A_53 : vector<1280x128xi32>
    %add3A_62 = arith.addi %add3A_53, %xor3A_61 : vector<1280x128xi32>
    %shift_left3A_63 = arith.constant 29 : i32
    %shift_left3A_64 = vector.broadcast %shift_left3A_63 : i32 to vector<1280x128xi32>
    %shift_left3A_65 = arith.shli %xor3A_61, %shift_left3A_64 : vector<1280x128xi32>
    %shift_right_logical3A_66 = arith.constant 3 : i32
    %shift_right_logical3A_67 = vector.broadcast %shift_right_logical3A_66 : i32 to vector<1280x128xi32>
    %shift_right_logical3A_68 = arith.shrui %xor3A_61, %shift_right_logical3A_67 : vector<1280x128xi32>
    %or3A_69 = arith.ori %shift_left3A_65, %shift_right_logical3A_68 : vector<1280x128xi32>
    %xor3A_70 = arith.xori %or3A_69, %add3A_62 : vector<1280x128xi32>
    %add3A_71 = arith.addi %add3A_62, %xor3A_70 : vector<1280x128xi32>
    %shift_left3A_72 = arith.constant 16 : i32
    %shift_left3A_73 = vector.broadcast %shift_left3A_72 : i32 to vector<1280x128xi32>
    %shift_left3A_74 = arith.shli %xor3A_70, %shift_left3A_73 : vector<1280x128xi32>
    %shift_right_logical3A_75 = arith.constant 16 : i32
    %shift_right_logical3A_76 = vector.broadcast %shift_right_logical3A_75 : i32 to vector<1280x128xi32>
    %shift_right_logical3A_77 = arith.shrui %xor3A_70, %shift_right_logical3A_76 : vector<1280x128xi32>
    %or3A_78 = arith.ori %shift_left3A_74, %shift_right_logical3A_77 : vector<1280x128xi32>
    %xor3A_79 = arith.xori %or3A_78, %add3A_71 : vector<1280x128xi32>
    %add3A_80 = arith.addi %add3A_71, %xor3A_79 : vector<1280x128xi32>
    %shift_left3A_81 = arith.constant 24 : i32
    %shift_left3A_82 = vector.broadcast %shift_left3A_81 : i32 to vector<1280x128xi32>
    %shift_left3A_83 = arith.shli %xor3A_79, %shift_left3A_82 : vector<1280x128xi32>
    %shift_right_logical3A_84 = arith.constant 8 : i32
    %shift_right_logical3A_85 = vector.broadcast %shift_right_logical3A_84 : i32 to vector<1280x128xi32>
    %shift_right_logical3A_86 = arith.shrui %xor3A_79, %shift_right_logical3A_85 : vector<1280x128xi32>
    %or3A_87 = arith.ori %shift_left3A_83, %shift_right_logical3A_86 : vector<1280x128xi32>
    %xor3A_88 = arith.xori %or3A_87, %add3A_80 : vector<1280x128xi32>
    %add3A_89 = vector.broadcast %xor3A_5 : i32 to vector<1280x128xi32>
    %add3A_90 = arith.addi %add3A_80, %add3A_89 : vector<1280x128xi32>
    %add3A_91 = arith.constant 0 : i32
    %add3A_92 = vector.broadcast %add3A_91 : i32 to vector<1280x128xi32>
    %add3A_93 = arith.addi %xor3A_88, %add3A_92 : vector<1280x128xi32>
    %add3A_94 = arith.constant 2 : i32
    %add3A_95 = vector.broadcast %add3A_94 : i32 to vector<1280x128xi32>
    %add3A_96 = arith.addi %add3A_93, %add3A_95 : vector<1280x128xi32>
    %add3A_97 = arith.addi %add3A_90, %add3A_96 : vector<1280x128xi32>
    %shift_left3A_98 = arith.constant 13 : i32
    %shift_left3A_99 = vector.broadcast %shift_left3A_98 : i32 to vector<1280x128xi32>
    %shift_left3A_100 = arith.shli %add3A_96, %shift_left3A_99 : vector<1280x128xi32>
    %shift_right_logical3A_101 = arith.constant 19 : i32
    %shift_right_logical3A_102 = vector.broadcast %shift_right_logical3A_101 : i32 to vector<1280x128xi32>
    %shift_right_logical3A_103 = arith.shrui %add3A_96, %shift_right_logical3A_102 : vector<1280x128xi32>
    %or3A_104 = arith.ori %shift_left3A_100, %shift_right_logical3A_103 : vector<1280x128xi32>
    %xor3A_105 = arith.xori %or3A_104, %add3A_97 : vector<1280x128xi32>
    %add3A_106 = arith.addi %add3A_97, %xor3A_105 : vector<1280x128xi32>
    %shift_left3A_107 = arith.constant 15 : i32
    %shift_left3A_108 = vector.broadcast %shift_left3A_107 : i32 to vector<1280x128xi32>
    %shift_left3A_109 = arith.shli %xor3A_105, %shift_left3A_108 : vector<1280x128xi32>
    %shift_right_logical3A_110 = arith.constant 17 : i32
    %shift_right_logical3A_111 = vector.broadcast %shift_right_logical3A_110 : i32 to vector<1280x128xi32>
    %shift_right_logical3A_112 = arith.shrui %xor3A_105, %shift_right_logical3A_111 : vector<1280x128xi32>
    %or3A_113 = arith.ori %shift_left3A_109, %shift_right_logical3A_112 : vector<1280x128xi32>
    %xor3A_114 = arith.xori %or3A_113, %add3A_106 : vector<1280x128xi32>
    %add3A_115 = arith.addi %add3A_106, %xor3A_114 : vector<1280x128xi32>
    %shift_left3A_116 = arith.constant 26 : i32
    %shift_left3A_117 = vector.broadcast %shift_left3A_116 : i32 to vector<1280x128xi32>
    %shift_left3A_118 = arith.shli %xor3A_114, %shift_left3A_117 : vector<1280x128xi32>
    %shift_right_logical3A_119 = arith.constant 6 : i32
    %shift_right_logical3A_120 = vector.broadcast %shift_right_logical3A_119 : i32 to vector<1280x128xi32>
    %shift_right_logical3A_121 = arith.shrui %xor3A_114, %shift_right_logical3A_120 : vector<1280x128xi32>
    %or3A_122 = arith.ori %shift_left3A_118, %shift_right_logical3A_121 : vector<1280x128xi32>
    %xor3A_123 = arith.xori %or3A_122, %add3A_115 : vector<1280x128xi32>
    %add3A_124 = arith.addi %add3A_115, %xor3A_123 : vector<1280x128xi32>
    %shift_left3A_125 = arith.constant 6 : i32
    %shift_left3A_126 = vector.broadcast %shift_left3A_125 : i32 to vector<1280x128xi32>
    %shift_left3A_127 = arith.shli %xor3A_123, %shift_left3A_126 : vector<1280x128xi32>
    %shift_right_logical3A_128 = arith.constant 26 : i32
    %shift_right_logical3A_129 = vector.broadcast %shift_right_logical3A_128 : i32 to vector<1280x128xi32>
    %shift_right_logical3A_130 = arith.shrui %xor3A_123, %shift_right_logical3A_129 : vector<1280x128xi32>
    %or3A_131 = arith.ori %shift_left3A_127, %shift_right_logical3A_130 : vector<1280x128xi32>
    %xor3A_132 = arith.xori %or3A_131, %add3A_124 : vector<1280x128xi32>
    %add3A_133 = arith.constant 0 : i32
    %add3A_134 = vector.broadcast %add3A_133 : i32 to vector<1280x128xi32>
    %add3A_135 = arith.addi %add3A_124, %add3A_134 : vector<1280x128xi32>
    %add3A_136 = arith.constant 1 : i32
    %add3A_137 = vector.broadcast %add3A_136 : i32 to vector<1280x128xi32>
    %add3A_138 = arith.addi %xor3A_132, %add3A_137 : vector<1280x128xi32>
    %add3A_139 = arith.constant 3 : i32
    %add3A_140 = vector.broadcast %add3A_139 : i32 to vector<1280x128xi32>
    %add3A_141 = arith.addi %add3A_138, %add3A_140 : vector<1280x128xi32>
    %add3A_142 = arith.addi %add3A_135, %add3A_141 : vector<1280x128xi32>
    %shift_left3A_143 = arith.constant 17 : i32
    %shift_left3A_144 = vector.broadcast %shift_left3A_143 : i32 to vector<1280x128xi32>
    %shift_left3A_145 = arith.shli %add3A_141, %shift_left3A_144 : vector<1280x128xi32>
    %shift_right_logical3A_146 = arith.constant 15 : i32
    %shift_right_logical3A_147 = vector.broadcast %shift_right_logical3A_146 : i32 to vector<1280x128xi32>
    %shift_right_logical3A_148 = arith.shrui %add3A_141, %shift_right_logical3A_147 : vector<1280x128xi32>
    %or3A_149 = arith.ori %shift_left3A_145, %shift_right_logical3A_148 : vector<1280x128xi32>
    %xor3A_150 = arith.xori %or3A_149, %add3A_142 : vector<1280x128xi32>
    %add3A_151 = arith.addi %add3A_142, %xor3A_150 : vector<1280x128xi32>
    %shift_left3A_152 = arith.constant 29 : i32
    %shift_left3A_153 = vector.broadcast %shift_left3A_152 : i32 to vector<1280x128xi32>
    %shift_left3A_154 = arith.shli %xor3A_150, %shift_left3A_153 : vector<1280x128xi32>
    %shift_right_logical3A_155 = arith.constant 3 : i32
    %shift_right_logical3A_156 = vector.broadcast %shift_right_logical3A_155 : i32 to vector<1280x128xi32>
    %shift_right_logical3A_157 = arith.shrui %xor3A_150, %shift_right_logical3A_156 : vector<1280x128xi32>
    %or3A_158 = arith.ori %shift_left3A_154, %shift_right_logical3A_157 : vector<1280x128xi32>
    %xor3A_159 = arith.xori %or3A_158, %add3A_151 : vector<1280x128xi32>
    %add3A_160 = arith.addi %add3A_151, %xor3A_159 : vector<1280x128xi32>
    %shift_left3A_161 = arith.constant 16 : i32
    %shift_left3A_162 = vector.broadcast %shift_left3A_161 : i32 to vector<1280x128xi32>
    %shift_left3A_163 = arith.shli %xor3A_159, %shift_left3A_162 : vector<1280x128xi32>
    %shift_right_logical3A_164 = arith.constant 16 : i32
    %shift_right_logical3A_165 = vector.broadcast %shift_right_logical3A_164 : i32 to vector<1280x128xi32>
    %shift_right_logical3A_166 = arith.shrui %xor3A_159, %shift_right_logical3A_165 : vector<1280x128xi32>
    %or3A_167 = arith.ori %shift_left3A_163, %shift_right_logical3A_166 : vector<1280x128xi32>
    %xor3A_168 = arith.xori %or3A_167, %add3A_160 : vector<1280x128xi32>
    %add3A_169 = arith.addi %add3A_160, %xor3A_168 : vector<1280x128xi32>
    %shift_left3A_170 = arith.constant 24 : i32
    %shift_left3A_171 = vector.broadcast %shift_left3A_170 : i32 to vector<1280x128xi32>
    %shift_left3A_172 = arith.shli %xor3A_168, %shift_left3A_171 : vector<1280x128xi32>
    %shift_right_logical3A_173 = arith.constant 8 : i32
    %shift_right_logical3A_174 = vector.broadcast %shift_right_logical3A_173 : i32 to vector<1280x128xi32>
    %shift_right_logical3A_175 = arith.shrui %xor3A_168, %shift_right_logical3A_174 : vector<1280x128xi32>
    %or3A_176 = arith.ori %shift_left3A_172, %shift_right_logical3A_175 : vector<1280x128xi32>
    %xor3A_177 = arith.xori %or3A_176, %add3A_169 : vector<1280x128xi32>
    %add3A_178 = arith.constant 1 : i32
    %add3A_179 = vector.broadcast %add3A_178 : i32 to vector<1280x128xi32>
    %add3A_180 = arith.addi %add3A_169, %add3A_179 : vector<1280x128xi32>
    %add3A_181 = vector.broadcast %xor3A_5 : i32 to vector<1280x128xi32>
    %add3A_182 = arith.addi %xor3A_177, %add3A_181 : vector<1280x128xi32>
    %add3A_183 = arith.constant 4 : i32
    %add3A_184 = vector.broadcast %add3A_183 : i32 to vector<1280x128xi32>
    %add3A_185 = arith.addi %add3A_182, %add3A_184 : vector<1280x128xi32>
    %add3A_186 = arith.addi %add3A_180, %add3A_185 : vector<1280x128xi32>
    %shift_left3A_187 = arith.constant 13 : i32
    %shift_left3A_188 = vector.broadcast %shift_left3A_187 : i32 to vector<1280x128xi32>
    %shift_left3A_189 = arith.shli %add3A_185, %shift_left3A_188 : vector<1280x128xi32>
    %shift_right_logical3A_190 = arith.constant 19 : i32
    %shift_right_logical3A_191 = vector.broadcast %shift_right_logical3A_190 : i32 to vector<1280x128xi32>
    %shift_right_logical3A_192 = arith.shrui %add3A_185, %shift_right_logical3A_191 : vector<1280x128xi32>
    %or3A_193 = arith.ori %shift_left3A_189, %shift_right_logical3A_192 : vector<1280x128xi32>
    %xor3A_194 = arith.xori %or3A_193, %add3A_186 : vector<1280x128xi32>
    %add3A_195 = arith.addi %add3A_186, %xor3A_194 : vector<1280x128xi32>
    %shift_left3A_196 = arith.constant 15 : i32
    %shift_left3A_197 = vector.broadcast %shift_left3A_196 : i32 to vector<1280x128xi32>
    %shift_left3A_198 = arith.shli %xor3A_194, %shift_left3A_197 : vector<1280x128xi32>
    %shift_right_logical3A_199 = arith.constant 17 : i32
    %shift_right_logical3A_200 = vector.broadcast %shift_right_logical3A_199 : i32 to vector<1280x128xi32>
    %shift_right_logical3A_201 = arith.shrui %xor3A_194, %shift_right_logical3A_200 : vector<1280x128xi32>
    %or3A_202 = arith.ori %shift_left3A_198, %shift_right_logical3A_201 : vector<1280x128xi32>
    %xor3A_203 = arith.xori %or3A_202, %add3A_195 : vector<1280x128xi32>
    %add3A_204 = arith.addi %add3A_195, %xor3A_203 : vector<1280x128xi32>
    %shift_left3A_205 = arith.constant 26 : i32
    %shift_left3A_206 = vector.broadcast %shift_left3A_205 : i32 to vector<1280x128xi32>
    %shift_left3A_207 = arith.shli %xor3A_203, %shift_left3A_206 : vector<1280x128xi32>
    %shift_right_logical3A_208 = arith.constant 6 : i32
    %shift_right_logical3A_209 = vector.broadcast %shift_right_logical3A_208 : i32 to vector<1280x128xi32>
    %shift_right_logical3A_210 = arith.shrui %xor3A_203, %shift_right_logical3A_209 : vector<1280x128xi32>
    %or3A_211 = arith.ori %shift_left3A_207, %shift_right_logical3A_210 : vector<1280x128xi32>
    %xor3A_212 = arith.xori %or3A_211, %add3A_204 : vector<1280x128xi32>
    %add3A_213 = arith.addi %add3A_204, %xor3A_212 : vector<1280x128xi32>
    %shift_left3A_214 = arith.constant 6 : i32
    %shift_left3A_215 = vector.broadcast %shift_left3A_214 : i32 to vector<1280x128xi32>
    %shift_left3A_216 = arith.shli %xor3A_212, %shift_left3A_215 : vector<1280x128xi32>
    %shift_right_logical3A_217 = arith.constant 26 : i32
    %shift_right_logical3A_218 = vector.broadcast %shift_right_logical3A_217 : i32 to vector<1280x128xi32>
    %shift_right_logical3A_219 = arith.shrui %xor3A_212, %shift_right_logical3A_218 : vector<1280x128xi32>
    %or3A_220 = arith.ori %shift_left3A_216, %shift_right_logical3A_219 : vector<1280x128xi32>
    %xor3A_221 = arith.xori %or3A_220, %add3A_213 : vector<1280x128xi32>
    %add3A_222 = vector.broadcast %xor3A_5 : i32 to vector<1280x128xi32>
    %add3A_223 = arith.addi %add3A_213, %add3A_222 : vector<1280x128xi32>
    %add3A_224 = arith.constant 0 : i32
    %add3A_225 = vector.broadcast %add3A_224 : i32 to vector<1280x128xi32>
    %add3A_226 = arith.addi %xor3A_221, %add3A_225 : vector<1280x128xi32>
    %add3A_227 = arith.constant 5 : i32
    %add3A_228 = vector.broadcast %add3A_227 : i32 to vector<1280x128xi32>
    %add3A_229 = arith.addi %add3A_226, %add3A_228 : vector<1280x128xi32>
    %xor3A_230 = arith.xori %add3A_223, %add3A_229 : vector<1280x128xi32>
    %shift_right_logical3A_231 = arith.constant 9 : i32
    %shift_right_logical3A_232 = vector.broadcast %shift_right_logical3A_231 : i32 to vector<1280x128xi32>
    %shift_right_logical3A_233 = arith.shrui %xor3A_230, %shift_right_logical3A_232 : vector<1280x128xi32>
    %or3A_234 = arith.constant 1065353216 : i32
    %or3A_235 = vector.broadcast %or3A_234 : i32 to vector<1280x128xi32>
    %or3A_236 = arith.ori %shift_right_logical3A_233, %or3A_235 : vector<1280x128xi32>
    %bitcast_convert_type3A = tpu.bitcast %or3A_236 : vector<1280x128xi32> -> vector<1280x128xf32>
    %sub3A = arith.constant 1.000000e+00 : f32
    %sub3A_237 = vector.broadcast %sub3A : f32 to vector<1280x128xf32>
    %sub3A_238 = arith.subf %bitcast_convert_type3A, %sub3A_237 : vector<1280x128xf32>
    %get3A = arith.constant 0 : index
    %get3A_239 = arith.constant 0 : index
    %get3A_240 = vector.load %arg0[%get3A, %get3A_239] : memref<32x64xf32, #tpu.memory_space<vmem>>, vector<32x64xf32>
    %reduce_sum3A = vector.shape_cast %get3A_240 : vector<32x64xf32> to vector<1x32x64xf32>
    %reduce_sum3A_241 = arith.constant dense<0.000000e+00> : vector<1xf32>
    %reduce_sum3A_242 = vector.multi_reduction <add>, %reduce_sum3A, %reduce_sum3A_241 [1, 2] : vector<1x32x64xf32> to vector<1xf32>
    %reduce_sum3A_243 = vector.shape_cast %reduce_sum3A_242 : vector<1xf32> to vector<1x1x1xf32>
    %reduce_sum3A_244 = vector.extract %reduce_sum3A_243[0, 0, 0] : f32 from vector<1x1x1xf32>
    %mul3A_245 = arith.constant 0.000000e+00 : f32
    %mul3A_246 = arith.mulf %mul3A_245, %reduce_sum3A_244 : f32
    %add3A_247 = vector.broadcast %mul3A_246 : f32 to vector<1280x128xf32>
    %add3A_248 = arith.addf %sub3A_238, %add3A_247 : vector<1280x128xf32>
    %swap3A = arith.constant 0 : index
    %swap3A_249 = arith.constant 0 : index
    %swap3A_250 = vector.load %arg1[%swap3A, %swap3A_249] : memref<1280x128xf32, #tpu.memory_space<vmem>>, vector<1280x128xf32>
    tpu.vector_store %arg1[%swap3A, %swap3A_249], %add3A_248 {strides = array<i32>} : memref<1280x128xf32, #tpu.memory_space<vmem>>, vector<1280x128xf32>,
    return
  }
}

</mosaic_0001>

<sc_bundles>
// kernel: kernel.4.cloned.1.call-start
scs
__scs_entry_jumppad:
0x0: {  	(pc) =	sbr.rel $0x88, $3  }
0x1: {  	(tag) =	ssettag $0x0;
	lr =	simm.s32 $0x1  }
0x2: {  	[smem:$0x3F9F] =	sst lr;
	_ =	strace $0xD0000000  }
0x3: {  	_ = 	snop  }
0x4: {  	_ = 	snop  }
0x5: {  	_ = 	snop  }
0x6: {  	_ = 	snop  }
0x7: {  	_ = 	snop  }
__scs_overlays_trampoline_lowered:
0x8: {  	[smem:$0x3FAE] =	sst s0  }
0x9: {  	[smem:$0x3FAF] =	sst s1  }
0xa: {  	[smem:$0x3FB0] =	sst s2  }
0xb: {  	[smem:$0x3FB1] =	sst s3  }
0xc: {  	[smem:$0x3FB2] =	sst s4  }
0xd: {  	[smem:$0x3FB3] =	sst s5  }
0xe: {  	[smem:$0x3FB4] =	sst s6  }
0xf: {  	[smem:$0x3FB5] =	sst s7  }
0x10: {  	[smem:$0x3FB6] =	sst s8  }
0x11: {  	[smem:$0x3FB7] =	sst s9;
	s0 =	simm.s32 @!p0 $0x0  }
0x12: {  	s1 =	sld [smem:$0x3F9D];
	s0 =	simm.s32 @p0 $0x1  }
0x13: {  	[smem:$0x3FB8] =	sst s0;
	s0 =	simm.s32 @!p1 $0x0  }
0x14: {  	s2 =	sld [smem:$0x3F9C];
	s0 =	simm.s32 @p1 $0x1  }
0x15: {  	[smem:$0x3FB9] =	sst s0;
	s0 =	simm.s32 @!p2 $0x0  }
0x16: {  	s3 =	sld [smem:$0x3FDB];
	s0 =	simm.s32 @p2 $0x1  }
0x17: {  	s4 =	simm.s32 $0x1BF5;
	[smem:$0x3FBB] =	sst s0  }
0x18: {  	s0 =	sld [smem:$0x3F9E];
	_ =	swait.ge [sflag:s4], $0x0  }
0x19: {  	s7 =	sld [smem:$0x3F9F]  }
0x1a: {  	s8 =	sadd.s32 $0xFFFFE003, lr  }
0x1b: {  	s9 =	sadd.s32 $0xFFFFFEF7, lr;
	s5 =	simm.s32 $0xFFFFFFFF;
	p2 =	slt.u32 s8, $0xFFFFF086  }
0x1c: {  	p1 =	slt.u32 s9, $0xF7A;
	s5 =	simm.s32 @!p2 $0x0  }
0x1d: {  	s5 =	simm.s32 @p1 $0x1;
	p0 =	seq.s32 s7, s2  }
0x1e: {  	s7 =	smul.u32 @!p0 $0xF7A, s2;
	p2 =	seq.s32 @!p0 s5, $0x0  }
0x1f: {  	s9 =	smul.u32 $0xF7A, s1;
	s8 =	simm.s32 @!p0 $0x1BF5;
	p2 =	por !p2, p0  }
0x20: {  	[sflag:s8] =	ssyncset.s32 @!p0 $0xFFFFF086;
	s6 =	sadd.s32 @!p0 s3, s7;
	s7 =	simm.s32 @!p0 $0x108  }
0x21: {  	s3 =	sadd.s32 s3, s9;
	s6 =	sadd.s32 @!p0 $0x88, s6;
	s7 =	simm.s32 @p2 $0x1082  }
0x22: {  	[simem:s7], [sflag:s8] =	dma.local @!p0 [hbm:s6], $0xF7A  }
0x23: {  	s9 =	sor.u32 $0xD0000000, s2;
	s6 =	simm.s32 $0x108;
	_ =	swait.ge @!p0 [sflag:s8], $0x0  }
0x24: {  	s3 =	sadd.s32 $0x88, s3;
	s6 =	simm.s32 @!p1 $0x1082;
	[sflag:s4] =	ssyncset.s32 $0xFFFFF086  }
0x25: {  	[simem:s6], [sflag:s4] =	dma.local [hbm:s3], $0xF7A  }
0x26: {  	[smem:$0x3F9F] =	sst s1;
	(tag) =	ssettag s2;
	_ =	strace s9  }
0x27: {  	s1 =	sld [smem:$0x3FAF]  }
0x28: {  	s2 =	sld [smem:$0x3FB0]  }
0x29: {  	s4 =	sld [smem:$0x3FB2]  }
0x2a: {  	p0 =	seq.s32 s5, $0x0;
	s5 =	sld [smem:$0x3FB3]  }
0x2b: {  	s6 =	sld [smem:$0x3FB4]  }
0x2c: {  	s7 =	sld [smem:$0x3FB5]  }
0x2d: {  	s3 =	simm.s32 $0x108;
	s8 =	sld [smem:$0x3FB6]  }
0x2e: {  	s3 =	simm.s32 @!p0 $0x1082;
	s9 =	sld [smem:$0x3FB7]  }
0x2f: {  	lr =	sadd.s32 s0, s3;
	s0 =	sld [smem:$0x3FAE]  }
0x30: {  	s3 =	sld [smem:$0x3FB1]  }
0x31: {  	[smem:$0x3FBA] =	sst s10  }
0x32: {  	s10 =	sld [smem:$0x3FB8];
	_ =	sdelay $0x3  }
0x33: {  	p0 =	seq.s32 s10, $0x1;
	s10 =	sld [smem:$0x3FBA];
	_ =	sdelay $0x3  }
0x34: {  	[smem:$0x3FBA] =	sst s10  }
0x35: {  	s10 =	sld [smem:$0x3FB9];
	_ =	sdelay $0x3  }
0x36: {  	p1 =	seq.s32 s10, $0x1;
	s10 =	sld [smem:$0x3FBA];
	_ =	sdelay $0x3  }
0x37: {  	[smem:$0x3FBA] =	sst s10  }
0x38: {  	s10 =	sld [smem:$0x3FBB]  }
0x39: {  	_ = 	snop;
	(pc) =	sbr.ind lr, $3  }
0x3a: {  	_ = 	snop  }
0x3b: {  	_ = 	snop  }
0x3c: {  	p2 =	seq.s32 s10, $0x1;
	s10 =	sld [smem:$0x3FBA]  }
0x3d: {  	_ =	shalt  }
0x3e: {  	_ =	shalt  }
0x3f: {  	_ =	shalt  }
0x40: {  	_ =	shalt  }
0x41: {  	_ =	shalt  }
0x42: {  	_ =	shalt  }
0x43: {  	_ =	shalt  }
0x44: {  	_ =	shalt  }
0x45: {  	_ =	shalt  }
0x46: {  	_ =	shalt  }
0x47: {  	_ =	shalt  }
0x48: {  	_ =	shalt  }
0x49: {  	_ =	shalt  }
0x4a: {  	_ =	shalt  }
0x4b: {  	_ =	shalt  }
0x4c: {  	_ =	shalt  }
0x4d: {  	_ =	shalt  }
0x4e: {  	_ =	shalt  }
0x4f: {  	_ =	shalt  }
0x50: {  	_ =	shalt  }
0x51: {  	_ =	shalt  }
0x52: {  	_ =	shalt  }
0x53: {  	_ =	shalt  }
0x54: {  	_ =	shalt  }
0x55: {  	_ =	shalt  }
0x56: {  	_ =	shalt  }
0x57: {  	_ =	shalt  }
0x58: {  	_ =	shalt  }
0x59: {  	_ =	shalt  }
0x5a: {  	_ =	shalt  }
0x5b: {  	_ =	shalt  }
0x5c: {  	_ =	shalt  }
0x5d: {  	_ =	shalt  }
0x5e: {  	_ =	shalt  }
0x5f: {  	_ =	shalt  }
0x60: {  	_ =	shalt  }
0x61: {  	_ =	shalt  }
0x62: {  	_ =	shalt  }
0x63: {  	_ =	shalt  }
0x64: {  	_ =	shalt  }
0x65: {  	_ =	shalt  }
0x66: {  	_ =	shalt  }
0x67: {  	_ =	shalt  }
0x68: {  	_ =	shalt  }
0x69: {  	_ =	shalt  }
0x6a: {  	_ =	shalt  }
0x6b: {  	_ =	shalt  }
0x6c: {  	_ =	shalt  }
0x6d: {  	_ =	shalt  }
0x6e: {  	_ =	shalt  }
0x6f: {  	_ =	shalt  }
0x70: {  	_ =	shalt  }
0x71: {  	_ =	shalt  }
0x72: {  	_ =	shalt  }
0x73: {  	_ =	shalt  }
0x74: {  	_ =	shalt  }
0x75: {  	_ =	shalt  }
0x76: {  	_ =	shalt  }
0x77: {  	_ =	shalt  }
0x78: {  	_ =	shalt  }
0x79: {  	_ =	shalt  }
0x7a: {  	_ =	shalt  }
0x7b: {  	_ =	shalt  }
0x7c: {  	_ =	shalt  }
0x7d: {  	_ =	shalt  }
0x7e: {  	_ =	shalt  }
0x7f: {  	_ =	shalt  }
0x80: {  	_ =	shalt  }
0x81: {  	_ =	shalt  }
0x82: {  	_ =	shalt  }
0x83: {  	_ =	shalt  }
0x84: {  	_ =	shalt  }
0x85: {  	_ =	shalt  }
0x86: {  	_ =	shalt  }
0x87: {  	_ =	shalt  }
.Lfunc_end0:
.L_simem_size_0:
called_computation_lowered:
.L_overlay_start_0:
0x88: {  	s2 =	sld [smem:$0x3FD9]  }
0x89: {  	s3 =	sld [smem:$0x3FFE];
	_ =	sdelay $0x1  }
0x8a: {  	s1 =	srdreg.scid  }
0x8b: {  	s0 =	sand.u32 $0x1, s1  }
0x8c: {  	s17 =	sshll.u32 s0, $0xA;
	s2 =	sadd.s32 s3, s2  }
0x8d: {  	s2 =	sadd.s32 s2, s17  }
0x8e: {  	[smem:$0x3FC6] =	sst s2  }
0x8f: {  	_ = 	snop  }
0x90: {  	s2 =	sld [smem:$0x3FC9]  }
0x91: {  	s18 =	sld [smem:$0x3FD0];
	(tm) =	ssettm $0x1  }
0x92: {  	s4 =	sld [smem:$0x3FFB];
	_ =	sdelay $0x3  }
0x93: {  	_ =	strace s4  }
0x94: {  	s4 =	sld [smem:$0x3FFC];
	_ =	sdelay $0x3  }
0x95: {  	_ =	strace s4  }
0x96: {  	s4 =	sld [smem:$0x3FFD];
	_ =	sdelay $0x3  }
0x97: {  	_ =	strace s4  }
0x98: {  	_ =	strace $0x8FFFFFFF  }
0x99: {  	s19 =	sld [smem:$0x3FDB];
	_ =	sdelay $0x1  }
0x9a: {  	s5 =	simm.s32 $_scs_section_size  }
0x9b: {  	s6 =	simm.s32 $_size__tile_overlayer_lowered;
	s7 =	simm.s32 $_tile_overlayer_lowered  }
0x9c: {  	s22 =	simm.s32 $0x1BFF;
	s21 =	sshll.u32 s7, $0x1;
	s4 =	sadd.s32 s5, s19  }
0x9d: {  	s8 =	simm.s32 $0x0;
	s20 =	sshll.u32 s6, $0x1;
	s6 =	sadd.s32 s21, s4  }
0x9e: {  	[timem:s8], [sflag:s22] =	dma.local [hbm:s6], s20  }
0x9f: {  	_ =	swait.ge [sflag:s22], s20  }
0xa0: {  	s5 =	ssub.s32 $0x0, s20;
	[sflag:s22] =	ssyncset.done $0x0  }
0xa1: {  	[sflag:s22] =	ssyncadd.s32 s5;
	_ =	sdelay $0x1  }
0xa2: {  	s23 =	simm.s32 $0x1B8B  }
0xa3: {  	_ =	swait.ge [sflag:s23], $0x1  }
0xa4: {  	[sflag:s23] =	ssyncset.done $0x0  }
0xa5: {  	s25 =	simm.s32 $0x1B8E;
	s24 =	sld [smem:$0x3FFE];
	[sflag:s23] =	ssyncadd.s32 $0xFFFFFFFF  }
0xa6: {  	s26 =	simm.s32 $execute0_lowered;
	[smem:$0x3FD2] =	sst s25  }
0xa7: {  	s6 =	sshll.u32 s26, $0x1;
	_ =	strace $0x80000046;
	[dreg:$0x1] =	wrdreg $0xFFFFFFFF  }
0xa8: {  	s28 =	simm.s32 $_size_execute0_lowered;
	s4 =	sadd.s32 s4, s6;
	[dreg:$0x0] =	wrdreg $0x0  }
0xa9: {  	s6 =	sshll.u32 s28, $0x1;
	[dreg:$0x2] =	wrdreg s4  }
0xaa: {  	[dreg:$0x3] =	wrdreg s6  }
0xab: {  	[dreg:$0x4] =	wrdreg $0xC0  }
0xac: {  	_ =	task [dreg:s8], $0x5FFFF  }
0xad: {  	[dreg:$0x1] =	wrdreg $0xFFFFFFFF  }
0xae: {  	[dreg:$0x0] =	wrdreg $0x60  }
0xaf: {  	[dreg:$0x2] =	wrdreg s2  }
0xb0: {  	[dreg:$0x3] =	wrdreg s24  }
0xb1: {  	[dreg:$0x4] =	wrdreg s18  }
0xb2: {  	[dreg:$0x5] =	wrdreg $0x9  }
0xb3: {  	_ =	task.clear_ibuf [dreg:s8], $0x6FFFF;
	_ =	strace $0x90000046  }
0xb4: {  	s29 =	simm.s32 $0x9;
	_ =	strace $0x80000048  }
0xb5: {  	_ =	swait.ge [sflag:s29], $0x1  }
0xb6: {  	[sflag:s29] =	ssyncadd.s32 $0xFFFFFFFF  }
0xb7: {  	_ =	strace $0x90000048  }
0xb8: {  	_ =	sfence  }
0xb9: {  	s30 =	sld [smem:$0x0];
	_ =	sdelay $0x2  }
0xba: {  	s31 =	sshll.u32 s1, $0xD;
	s1 =	sshrl.u32 s1, $0x2  }
0xbb: {  	s3 =	sand.u32 $0x4000, s31;
	s1 =	sadd.s32 s1, s30  }
0xbc: {  	s0 =	sor.u32 s3, s0;
	s1 =	sshll.u32 s1, $0x11  }
0xbd: {  	s0 =	sor.u32 s1, s0  }
0xbe: {  	s0 =	sadd.s32 $0x8F2B, s0  }
0xbf: {  	[sflag:s0] =	ssyncadd.remote.s32 $0x1  }
0xc0: {  	_ =	sfence.sel $0xFFFF  }
0xc1: {  	[dreg:$0x0] =	wrdreg $0xFFFFFFFF;
	(pc) =	sbr.abs _section_cstart, $3  }
0xc2: {  	[dreg:$0x1] =	wrdreg $0xFFFFFFFF  }
0xc3: {  	_ =	task.clear_ibuf [dreg:s8], $0x2FFFF;
	_ =	strace $0x9FFFFFFF  }
0xc4: {  	(tm) =	ssettm $0x7FFFFFFF  }
0xc5: {  	_ =	shalt  }
tec
execute0_lowered:
.L_overlay_start_1:
0x0: {  	(tag) =	ssettag $0x1  }
0x1: {  	s4 =	rddreg [dreg:$0x0]  }
0x2: {  	s3 =	rddreg [dreg:$0x1]  }
0x3: {  	s5 =	rddreg [dreg:$0x2]  }
0x4: {  	s0 =	rddreg [dreg:$0x3];
	s2 =	simm.s32 $0x0  }
0x5: {  	s6 =	srdreg.scid;
	s1 =	stileid.u32;
	s10 =	simm.s32 $0x8200  }
0x6: {  	s11 =	simm.s32 $0x0;
	[smem:$0x7FF] =	sst s2;
	s6 =	sand.u32 $0x1, s6  }
0x7: {  	s7 =	sshll.u32 s1, $0x1;
	s3 =	sadd.s32 $0xF42800, s3;
	s8 =	ssub.s32 $0x2, s6  }
0x8: {  	_ =	strace $0x80000047;
	s6 =	sor.u32 s6, s7;
	s31 =	sshrl.u32 s8, $0x1  }
0x9: {  	s9 =	sshll.u32 s6, $0x6;
	s6 =	sshll.u32 s6, $0x3;
	s7 =	ssub.s32 s8, s31  }
0xa: {  	s4 =	sadd.s32 s4, s9;
	s5 =	sadd.s32 s5, s6;
	s8 =	simm.s32 $0x200  }
0xb: {  	s9 =	simm.s32 $0x1;
	s6 =	smax.u32 s7, $0x1;
	s7 =	simm.s32 $0x2  }
.LBB2_1:
0xc: {  	[tilespmem:s2], [sflag:$0x2] =	stream.linear.gather [hbm4b:s4+s2], $0x200, $0x38;
	[tilespmem:$0x8240] =	vst v63  }
0xd: {  	_ =	swait.ge [sflag:s7], $0x200  }
0xe: {  	[sflag:s7] =	ssyncset.done $0x0  }
0xf: {  	[sflag:s7] =	ssyncadd.s32 $0xFFFFFE00  }
0x10: {  	[tilespmem:s8], [sflag:$0x1] =	stream.indirect.gather [hbm4b:s3+s8], $0x40, s2, s8, $0xb8;
	[tilespmem:$0x8240] =	vst v63  }
0x11: {  	_ =	swait.ge [sflag:s9], $0x8000  }
0x12: {  	[sflag:s9] =	ssyncset.done $0x0  }
0x13: {  	s13 =	simm.s32 $0x0;
	[sflag:s9] =	ssyncadd.s32 $0xFFFF8000  }
0x14: {  	v1 =	vld [tilespmem:s13+$0x230]  }
0x15: {  	v2 =	vld [tilespmem:s13+$0x200]  }
0x16: {  	v0 =	vimm.f32 $0.0e+00;
	v3 =	vld [tilespmem:s13+$0x210]  }
0x17: {  	s12 =	simm.s32 $0x100;
	v5 =	vimm.f32 $0.0e+00;
	v6 =	vimm.f32 $0.0e+00;
	v7 =	vimm.f32 $0.0e+00;
	v4 =	vld [tilespmem:s13+$0x220]  }
.LBB2_2:
0x18: {  	p0 =	sne.s32 s12, $0x1FF00  }
.Ltmp0:
0x19: {  	s13 =	sshra.s32 s12, $0x2;
	s12 =	sadd.s32 $0x100, s12;
	v0 =	vadd.f32 v1, v0;
	(pc) =	sbr.rel @p0 .LBB2_2-.Ltmp0, $4  }
0x1a: {  	v1 =	vld [tilespmem:s13+$0x230];
	v5 =	vadd.f32 v2, v5  }
0x1b: {  	v2 =	vld [tilespmem:s13+$0x200];
	v6 =	vadd.f32 v3, v6  }
0x1c: {  	v3 =	vld [tilespmem:s13+$0x210];
	v7 =	vadd.f32 v4, v7  }
0x1d: {  	v4 =	vld [tilespmem:s13+$0x220]  }
0x1e: {  	_ = 	snop  }
0x1f: {  	v0 =	vadd.f32 v1, v0  }
0x20: {  	v2 =	vadd.f32 v2, v5  }
0x21: {  	v3 =	vadd.f32 v3, v6;
	[tilespmem:$0x8230] =	vst v0  }
0x22: {  	s11 =	sadd.s32 $0x1, s11;
	v4 =	vadd.f32 v4, v7;
	[tilespmem:$0x8200] =	vst v2  }
0x23: {  	p0 =	sne.s32 s11, s6;
	[tilespmem:$0x8210] =	vst v3  }
.Ltmp1:
0x24: {  	[tilespmem:$0x8220] =	vst v4;
	(pc) =	sbr.rel @p0 .LBB2_1-.Ltmp1, $4  }
0x25: {  	[hbm4b:s5+s2] =	stream.linear.scatter [tilespmem:s10], [sflag:$0x2], $0x40, $0x38;
	[tilespmem:$0x8240] =	vst v63  }
0x26: {  	_ =	swait.ge [sflag:s7], $0x40  }
0x27: {  	[sflag:s7] =	ssyncset.done $0x0  }
0x28: {  	[sflag:s7] =	ssyncadd.s32 $0xFFFFFFC0  }
0x29: {  	_ =	sfence.sel $0x180000  }
0x2a: {  	[bflag:$0x0] =	sbarrier.arrive $0xFFFF  }
0x2b: {  	p0 =	sne.s32 s1, $0x0;
	_ =	strace $0x90000047  }
0x2c: {  	s0 =	sadd.s32 @!p0 $0x100000, s0;
	[bflag:$0x2] =	sbarrier.arrive $0xFFFF  }
0x2d: {  	[sflag:s0] =	ssyncadd.tile.s32 @!p0 $0x1;
	_ =	shalt  }
.Lfunc_end2:
_tile_overlayer_lowered:
.L_overlay_start_2:
0x2e: {  	(tag) =	ssettag $0x2  }
0x2f: {  	s0 =	rddreg [dreg:$0x0];
	s2 =	stileid.u32  }
0x30: {  	s1 =	rddreg [dreg:$0x1];
	p0 =	sne.s32 s2, $0x0  }
0x31: {  	s3 =	rddreg [dreg:$0x2];
	[bflag:$0x3] =	sbarrier.arrive $0xFFFF;
	s2 =	simm.s32 @!p0 $0x1C02  }
0x32: {  	[timem:s3], [sflag:s2] =	dma.local @!p0 [hbm:s0], s1  }
0x33: {  	s0 =	simm.s32 @!p0 $0x2  }
0x34: {  	_ =	swait.ge @!p0 [sflag:s0], s1  }
0x35: {  	s1 =	ssub.s32 @!p0 $0x0, s1;
	[sflag:s0] =	ssyncset.done @!p0 $0x0  }
0x36: {  	[sflag:s0] =	ssyncadd.s32 @!p0 s1  }
0x37: {  	[bflag:$0x3] =	sbarrier.arrive $0xFFFF  }
0x38: {  	_ =	shalt  }

</sc_bundles>
